<compile_context>
chip_gen: v7x
topology: tpu7x:2x2x1
jax: 0.10.2.dev20260603
libtpu: 0.0.44.dev20260713+nightly
codegen_flags: <defaults>
</compile_context>

<pallas_src>
import jax
import jax.numpy as jnp
from jax import lax
from jax.experimental import pallas as pl
from jax.experimental.pallas import tpu as pltpu
from jax.experimental.pallas import tpu_sc as plsc

_T, _H, _W, _D = 32, 64, 64, 128
_NC, _NS = 2, 16
_L = 16


def _sc_body(t_hbm, h_hbm, w_hbm, out_hbm, t_v, h_v, w_v, th_v, buf, sem):
    wid = lax.axis_index("s") * _NC + lax.axis_index("c")
    base = wid * _H * _W
    pltpu.sync_copy(t_hbm.at[pl.ds(wid, 1)], t_v)
    pltpu.sync_copy(h_hbm.at[pl.ds(0, _H)], h_v)
    pltpu.sync_copy(w_hbm.at[pl.ds(0, _W)], w_v)

    def h_loop(hh, carry):
        b = lax.rem(hh, 2)

        @pl.when(hh >= 2)
        def _drain():
            pltpu.make_async_copy(
                buf.at[b], out_hbm.at[0, pl.ds(base + (hh - 2) * _W, _W), :], sem.at[b]
            ).wait()

        for k in range(_D // _L):
            ds = pl.ds(k * _L, _L)
            th_v[ds] = t_v[0, ds] + h_v[hh, ds]

        def w_loop(ww, c2):
            for k in range(_D // _L):
                ds = pl.ds(k * _L, _L)
                buf[b, ww, ds] = w_v[ww, ds] + th_v[ds]
            return c2

        lax.fori_loop(0, _W, w_loop, 0)
        pltpu.make_async_copy(
            buf.at[b], out_hbm.at[0, pl.ds(base + hh * _W, _W), :], sem.at[b]
        ).start()
        return carry

    lax.fori_loop(0, _H, h_loop, 0)
    pltpu.make_async_copy(
        buf.at[0], out_hbm.at[0, pl.ds(base + (_H - 2) * _W, _W), :], sem.at[0]
    ).wait()
    pltpu.make_async_copy(
        buf.at[1], out_hbm.at[0, pl.ds(base + (_H - 1) * _W, _W), :], sem.at[1]
    ).wait()


def kernel(t, h, w, temporal_embed, height_embed, width_embed, scale_t, scale_h, scale_w):
    ts = temporal_embed * scale_t
    hs = height_embed * scale_h
    ws = width_embed * scale_w
    mesh = plsc.VectorSubcoreMesh(core_axis_name="c", subcore_axis_name="s")
    f = pl.kernel(
        _sc_body,
        out_type=jax.ShapeDtypeStruct((1, _T * _H * _W, _D), jnp.float32),
        mesh=mesh,
        scratch_types=[
            pltpu.VMEM((1, _D), jnp.float32),
            pltpu.VMEM((_H, _D), jnp.float32),
            pltpu.VMEM((_W, _D), jnp.float32),
            pltpu.VMEM((_D,), jnp.float32),
            pltpu.VMEM((2, _W, _D), jnp.float32),
            pltpu.SemaphoreType.DMA((2,)),
        ],
    )
    return f(ts, hs, ws)

# --- scband reference (transcript-rebuilt; emitter-appended) ---
"""Pipeline reference for scband-learned-positional-encoding3-d-35545149342172 (READ-ONLY COPY).

The authoritative reference and input builder live on the scoring server;
editing this copy changes nothing except your own understanding.
"""

import jax, jax.numpy as jnp
import numpy as np

DIM = 128
MAX_T, MAX_H, MAX_W = 64, 128, 128

def setup_inputs(seed: int = 0) -> dict:
    key = jax.random.key(seed)
    k1, k2, k3 = jax.random.split(key, 3)
    return {
        "t": 32,
        "h": 64,
        "w": 64,
        "temporal_embed": jax.random.normal(k1, (MAX_T, DIM), dtype=jnp.float32),
        "height_embed": jax.random.normal(k2, (MAX_H, DIM), dtype=jnp.float32),
        "width_embed": jax.random.normal(k3, (MAX_W, DIM), dtype=jnp.float32),
        "scale_t": jnp.ones((1,), dtype=jnp.float32) * 0.1,
        "scale_h": jnp.ones((1,), dtype=jnp.float32) * 0.1,
        "scale_w": jnp.ones((1,), dtype=jnp.float32) * 0.1,
    }

def reference(t, h, w, temporal_embed, height_embed, width_embed, scale_t, scale_h, scale_w):
    T, H, W = 32, 64, 64
    t_pos = jnp.arange(T) + t * 0
    h_pos = jnp.arange(H) + h * 0
    w_pos = jnp.arange(W) + w * 0
    t_emb = jnp.take(temporal_embed, t_pos, axis=0) * scale_t
    h_emb = jnp.take(height_embed, h_pos, axis=0) * scale_h
    w_emb = jnp.take(width_embed, w_pos, axis=0) * scale_w
    pos = t_emb[:, None, None, :] + h_emb[None, :, None, :] + w_emb[None, None, :, :]
    pos = pos.reshape(1, T * H * W, -1).astype(jnp.float32)
    return pos

if __name__ == "__main__":
    import jax
    _d = setup_inputs()
    print(jax.jit(kernel)(*tuple(_d.values())))

</pallas_src>

<mosaic_0001>
#map = affine_map<(d0, d1) -> (0, 0)>
#map1 = affine_map<(d0, d1) -> (0, 0, 0)>
module attributes {stable_mosaic.version = 14 : i64} {
  func.func @_sc_body(%arg0: i32, %arg1: i32, %arg2: memref<64x128xf32, #tpu.memory_space<hbm>>, %arg3: memref<128x128xf32, #tpu.memory_space<hbm>>, %arg4: memref<128x128xf32, #tpu.memory_space<hbm>>, %arg5: memref<1x131072x128xf32, #tpu.memory_space<hbm>>, %arg6: memref<1x128xf32, #tpu.memory_space<vmem>>, %arg7: memref<64x128xf32, #tpu.memory_space<vmem>>, %arg8: memref<64x128xf32, #tpu.memory_space<vmem>>, %arg9: memref<128xf32, #tpu.memory_space<vmem>>, %arg10: memref<2x64x128xf32, #tpu.memory_space<vmem>>, %arg11: memref<2x!tpu.dma_semaphore, #tpu.memory_space<semaphore_mem>>) attributes {dimension_semantics = [#tpu.dimension_semantics<core_parallel>, #tpu.dimension_semantics<subcore_parallel>], iteration_bounds = array<i64: 2, 16>, scalar_prefetch = 0 : i64, scratch_operands = 6 : i64, tpu.core_type = #tpu.core_type<sc_vector_subcore>, window_params = [{transform_indices = #map}, {transform_indices = #map}, {transform_indices = #map}, {transform_indices = #map1}]} {
    %mul3A = arith.constant 2 : i32
    %mul3A_0 = arith.muli %arg1, %mul3A : i32
    %add3A = arith.addi %mul3A_0, %arg0 : i32
    %mul3A_1 = arith.constant 64 : i32
    %mul3A_2 = arith.muli %add3A, %mul3A_1 : i32
    %mul3A_3 = arith.constant 64 : i32
    %mul3A_4 = arith.muli %mul3A_2, %mul3A_3 : i32
    "tpu.region"() ({
      %run_scoped3A = tpu.sem_alloc : memref<!tpu.dma_semaphore, #tpu.memory_space<semaphore_mem>>
      %dma_start3A = arith.constant 0 : i32
      %dma_start3A_51 = tpu.memref_slice %arg2[%add3A, %dma_start3A] : memref<64x128xf32, #tpu.memory_space<hbm>> -> memref<1x128xf32, #tpu.memory_space<hbm>>
      %dma_start3A_52 = arith.constant 0 : i32
      %dma_start3A_53 = tpu.memref_slice %arg2[%add3A, %dma_start3A_52] : memref<64x128xf32, #tpu.memory_space<hbm>> -> memref<1x128xf32, #tpu.memory_space<hbm>>
      tpu.enqueue_dma source(%dma_start3A_53 : memref<1x128xf32, #tpu.memory_space<hbm>>) target(%arg6 : memref<1x128xf32, #tpu.memory_space<vmem>>) target_semaphore(%run_scoped3A : memref<!tpu.dma_semaphore, #tpu.memory_space<semaphore_mem>>)
      %dma_wait3A_54 = arith.constant 0 : i32
      %dma_wait3A_55 = tpu.memref_slice %arg2[%add3A, %dma_wait3A_54] : memref<64x128xf32, #tpu.memory_space<hbm>> -> memref<1x128xf32, #tpu.memory_space<hbm>>
      %dma_wait3A_56 = arith.constant 0 : i32
      %dma_wait3A_57 = tpu.memref_slice %arg2[%add3A, %dma_wait3A_56] : memref<64x128xf32, #tpu.memory_space<hbm>> -> memref<1x128xf32, #tpu.memory_space<hbm>>
      tpu.wait_dma2 semaphore(%run_scoped3A : memref<!tpu.dma_semaphore, #tpu.memory_space<semaphore_mem>>) src(%dma_wait3A_57 : memref<1x128xf32, #tpu.memory_space<hbm>>) dst(%arg6 : memref<1x128xf32, #tpu.memory_space<vmem>>)
      tpu.yield
    }) : () -> ()
    "tpu.region"() ({
      %run_scoped3A = tpu.sem_alloc : memref<!tpu.dma_semaphore, #tpu.memory_space<semaphore_mem>>
      %dma_start3A = arith.constant 0 : i32
      %dma_start3A_51 = arith.constant 0 : i32
      %dma_start3A_52 = tpu.memref_slice %arg3[%dma_start3A, %dma_start3A_51] : memref<128x128xf32, #tpu.memory_space<hbm>> -> memref<64x128xf32, #tpu.memory_space<hbm>>
      %dma_start3A_53 = arith.constant 0 : i32
      %dma_start3A_54 = arith.constant 0 : i32
      %dma_start3A_55 = tpu.memref_slice %arg3[%dma_start3A_53, %dma_start3A_54] : memref<128x128xf32, #tpu.memory_space<hbm>> -> memref<64x128xf32, #tpu.memory_space<hbm>>
      tpu.enqueue_dma source(%dma_start3A_55 : memref<64x128xf32, #tpu.memory_space<hbm>>) target(%arg7 : memref<64x128xf32, #tpu.memory_space<vmem>>) target_semaphore(%run_scoped3A : memref<!tpu.dma_semaphore, #tpu.memory_space<semaphore_mem>>)
      %dma_wait3A_56 = arith.constant 0 : i32
      %dma_wait3A_57 = arith.constant 0 : i32
      %dma_wait3A_58 = tpu.memref_slice %arg3[%dma_wait3A_56, %dma_wait3A_57] : memref<128x128xf32, #tpu.memory_space<hbm>> -> memref<64x128xf32, #tpu.memory_space<hbm>>
      %dma_wait3A_59 = arith.constant 0 : i32
      %dma_wait3A_60 = arith.constant 0 : i32
      %dma_wait3A_61 = tpu.memref_slice %arg3[%dma_wait3A_59, %dma_wait3A_60] : memref<128x128xf32, #tpu.memory_space<hbm>> -> memref<64x128xf32, #tpu.memory_space<hbm>>
      tpu.wait_dma2 semaphore(%run_scoped3A : memref<!tpu.dma_semaphore, #tpu.memory_space<semaphore_mem>>) src(%dma_wait3A_61 : memref<64x128xf32, #tpu.memory_space<hbm>>) dst(%arg7 : memref<64x128xf32, #tpu.memory_space<vmem>>)
      tpu.yield
    }) : () -> ()
    "tpu.region"() ({
      %run_scoped3A = tpu.sem_alloc : memref<!tpu.dma_semaphore, #tpu.memory_space<semaphore_mem>>
      %dma_start3A = arith.constant 0 : i32
      %dma_start3A_51 = arith.constant 0 : i32
      %dma_start3A_52 = tpu.memref_slice %arg4[%dma_start3A, %dma_start3A_51] : memref<128x128xf32, #tpu.memory_space<hbm>> -> memref<64x128xf32, #tpu.memory_space<hbm>>
      %dma_start3A_53 = arith.constant 0 : i32
      %dma_start3A_54 = arith.constant 0 : i32
      %dma_start3A_55 = tpu.memref_slice %arg4[%dma_start3A_53, %dma_start3A_54] : memref<128x128xf32, #tpu.memory_space<hbm>> -> memref<64x128xf32, #tpu.memory_space<hbm>>
      tpu.enqueue_dma source(%dma_start3A_55 : memref<64x128xf32, #tpu.memory_space<hbm>>) target(%arg8 : memref<64x128xf32, #tpu.memory_space<vmem>>) target_semaphore(%run_scoped3A : memref<!tpu.dma_semaphore, #tpu.memory_space<semaphore_mem>>)
      %dma_wait3A_56 = arith.constant 0 : i32
      %dma_wait3A_57 = arith.constant 0 : i32
      %dma_wait3A_58 = tpu.memref_slice %arg4[%dma_wait3A_56, %dma_wait3A_57] : memref<128x128xf32, #tpu.memory_space<hbm>> -> memref<64x128xf32, #tpu.memory_space<hbm>>
      %dma_wait3A_59 = arith.constant 0 : i32
      %dma_wait3A_60 = arith.constant 0 : i32
      %dma_wait3A_61 = tpu.memref_slice %arg4[%dma_wait3A_59, %dma_wait3A_60] : memref<128x128xf32, #tpu.memory_space<hbm>> -> memref<64x128xf32, #tpu.memory_space<hbm>>
      tpu.wait_dma2 semaphore(%run_scoped3A : memref<!tpu.dma_semaphore, #tpu.memory_space<semaphore_mem>>) src(%dma_wait3A_61 : memref<64x128xf32, #tpu.memory_space<hbm>>) dst(%arg8 : memref<64x128xf32, #tpu.memory_space<vmem>>)
      tpu.yield
    }) : () -> ()
    %scan3A = arith.constant 0 : i32
    %scan3A_5 = arith.constant 0 : i32
    %scan3A_6 = arith.constant 64 : i32
    %scan3A_7 = arith.addi %scan3A_5, %scan3A_6 : i32
    %scan3A_8 = arith.constant 1 : i32
    scf.for %scan3A_51 = %scan3A_5 to %scan3A_7 step %scan3A_8  : i32 {
      %rem3A = arith.constant 2 : i32
      %rem3A_52 = arith.remsi %scan3A_51, %rem3A : i32
      %ge3A = arith.constant 2 : i32
      %ge3A_53 = arith.cmpi sge, %scan3A_51, %ge3A : i32
      %convert_element_type3A = arith.extui %ge3A_53 : i1 to i32
      %cond3A = arith.constant 0 : i32
      %cond3A_54 = arith.cmpi ne, %convert_element_type3A, %cond3A : i32
      scf.if %cond3A_54 {
        %sub3A = arith.constant 2 : i32
        %sub3A_190 = arith.subi %scan3A_51, %sub3A : i32
        %mul3A_191 = arith.constant 64 : i32
        %mul3A_192 = arith.muli %sub3A_190, %mul3A_191 : i32
        %add3A_193 = arith.addi %mul3A_4, %mul3A_192 : i32
        %dma_wait3A_194 = arith.constant 0 : i32
        %dma_wait3A_195 = arith.constant 0 : i32
        %dma_wait3A_196 = arith.constant 0 : i32
        %dma_wait3A_197 = tpu.memref_slice %arg10[%rem3A_52, %dma_wait3A_195, %dma_wait3A_196] : memref<2x64x128xf32, #tpu.memory_space<vmem>> -> memref<1x64x128xf32, #tpu.memory_space<vmem>>
        %dma_wait3A_198 = tpu.memref_squeeze %dma_wait3A_197 : memref<1x64x128xf32, #tpu.memory_space<vmem>> -> memref<64x128xf32, #tpu.memory_space<vmem>>
        %dma_wait3A_199 = arith.constant 0 : i32
        %dma_wait3A_200 = tpu.memref_slice %arg5[%dma_wait3A_194, %add3A_193, %dma_wait3A_199] : memref<1x131072x128xf32, #tpu.memory_space<hbm>> -> memref<1x64x128xf32, #tpu.memory_space<hbm>>
        %dma_wait3A_201 = tpu.memref_squeeze %dma_wait3A_200 : memref<1x64x128xf32, #tpu.memory_space<hbm>> -> memref<64x128xf32, #tpu.memory_space<hbm>>
        %dma_wait3A_202 = tpu.memref_slice %arg11[%rem3A_52] : memref<2x!tpu.dma_semaphore, #tpu.memory_space<semaphore_mem>> -> memref<1x!tpu.dma_semaphore, #tpu.memory_space<semaphore_mem>>
        %dma_wait3A_203 = tpu.memref_squeeze %dma_wait3A_202 : memref<1x!tpu.dma_semaphore, #tpu.memory_space<semaphore_mem>> -> memref<!tpu.dma_semaphore, #tpu.memory_space<semaphore_mem>>
        %dma_wait3A_204 = arith.constant 0 : i32
        %dma_wait3A_205 = tpu.memref_slice %arg5[%dma_wait3A_194, %add3A_193, %dma_wait3A_204] : memref<1x131072x128xf32, #tpu.memory_space<hbm>> -> memref<1x64x128xf32, #tpu.memory_space<hbm>>
        %dma_wait3A_206 = tpu.memref_squeeze %dma_wait3A_205 : memref<1x64x128xf32, #tpu.memory_space<hbm>> -> memref<64x128xf32, #tpu.memory_space<hbm>>
        %dma_wait3A_207 = arith.constant 0 : i32
        %dma_wait3A_208 = arith.constant 0 : i32
        %dma_wait3A_209 = tpu.memref_slice %arg10[%rem3A_52, %dma_wait3A_207, %dma_wait3A_208] : memref<2x64x128xf32, #tpu.memory_space<vmem>> -> memref<1x64x128xf32, #tpu.memory_space<vmem>>
        %dma_wait3A_210 = tpu.memref_squeeze %dma_wait3A_209 : memref<1x64x128xf32, #tpu.memory_space<vmem>> -> memref<64x128xf32, #tpu.memory_space<vmem>>
        tpu.wait_dma2 semaphore(%dma_wait3A_203 : memref<!tpu.dma_semaphore, #tpu.memory_space<semaphore_mem>>) src(%dma_wait3A_210 : memref<64x128xf32, #tpu.memory_space<vmem>>) dst(%dma_wait3A_206 : memref<64x128xf32, #tpu.memory_space<hbm>>)
      } else {
      }
      %get3A = arith.constant 0 : i32
      %get3A_55 = arith.index_cast %get3A : i32 to index
      %get3A_56 = arith.constant 0 : index
      %get3A_57 = tpu.vector_load %arg6[%get3A_55, %get3A_56] {strides = array<i32>} : memref<1x128xf32, #tpu.memory_space<vmem>>, vector<1x16xf32>,
      %get3A_58 = vector.shape_cast %get3A_57 : vector<1x16xf32> to vector<16xf32>
      %get3A_59 = arith.index_cast %scan3A_51 : i32 to index
      %get3A_60 = arith.constant 0 : index
      %get3A_61 = tpu.vector_load %arg7[%get3A_59, %get3A_60] {strides = array<i32>} : memref<64x128xf32, #tpu.memory_space<vmem>>, vector<1x16xf32>,
      %get3A_62 = vector.shape_cast %get3A_61 : vector<1x16xf32> to vector<16xf32>
      %add3A_63 = arith.addf %get3A_58, %get3A_62 : vector<16xf32>
      %swap3A = arith.constant 0 : index
      %swap3A_64 = tpu.vector_load %arg9[%swap3A] {strides = array<i32>} : memref<128xf32, #tpu.memory_space<vmem>>, vector<16xf32>,
      %swap3A_65 = vector.shape_cast %swap3A_64 : vector<16xf32> to vector<16xf32>
      %swap3A_66 = vector.shape_cast %add3A_63 : vector<16xf32> to vector<16xf32>
      tpu.vector_store %arg9[%swap3A], %swap3A_66 {strides = array<i32>} : memref<128xf32, #tpu.memory_space<vmem>>, vector<16xf32>,
      %get3A_67 = arith.constant 0 : i32
      %get3A_68 = arith.index_cast %get3A_67 : i32 to index
      %get3A_69 = arith.constant 16 : index
      %get3A_70 = tpu.vector_load %arg6[%get3A_68, %get3A_69] {strides = array<i32>} : memref<1x128xf32, #tpu.memory_space<vmem>>, vector<1x16xf32>,
      %get3A_71 = vector.shape_cast %get3A_70 : vector<1x16xf32> to vector<16xf32>
      %get3A_72 = arith.index_cast %scan3A_51 : i32 to index
      %get3A_73 = arith.constant 16 : index
      %get3A_74 = tpu.vector_load %arg7[%get3A_72, %get3A_73] {strides = array<i32>} : memref<64x128xf32, #tpu.memory_space<vmem>>, vector<1x16xf32>,
      %get3A_75 = vector.shape_cast %get3A_74 : vector<1x16xf32> to vector<16xf32>
      %add3A_76 = arith.addf %get3A_71, %get3A_75 : vector<16xf32>
      %swap3A_77 = arith.constant 16 : index
      %swap3A_78 = tpu.vector_load %arg9[%swap3A_77] {strides = array<i32>} : memref<128xf32, #tpu.memory_space<vmem>>, vector<16xf32>,
      %swap3A_79 = vector.shape_cast %swap3A_78 : vector<16xf32> to vector<16xf32>
      %swap3A_80 = vector.shape_cast %add3A_76 : vector<16xf32> to vector<16xf32>
      tpu.vector_store %arg9[%swap3A_77], %swap3A_80 {strides = array<i32>} : memref<128xf32, #tpu.memory_space<vmem>>, vector<16xf32>,
      %get3A_81 = arith.constant 0 : i32
      %get3A_82 = arith.index_cast %get3A_81 : i32 to index
      %get3A_83 = arith.constant 32 : index
      %get3A_84 = tpu.vector_load %arg6[%get3A_82, %get3A_83] {strides = array<i32>} : memref<1x128xf32, #tpu.memory_space<vmem>>, vector<1x16xf32>,
      %get3A_85 = vector.shape_cast %get3A_84 : vector<1x16xf32> to vector<16xf32>
      %get3A_86 = arith.index_cast %scan3A_51 : i32 to index
      %get3A_87 = arith.constant 32 : index
      %get3A_88 = tpu.vector_load %arg7[%get3A_86, %get3A_87] {strides = array<i32>} : memref<64x128xf32, #tpu.memory_space<vmem>>, vector<1x16xf32>,
      %get3A_89 = vector.shape_cast %get3A_88 : vector<1x16xf32> to vector<16xf32>
      %add3A_90 = arith.addf %get3A_85, %get3A_89 : vector<16xf32>
      %swap3A_91 = arith.constant 32 : index
      %swap3A_92 = tpu.vector_load %arg9[%swap3A_91] {strides = array<i32>} : memref<128xf32, #tpu.memory_space<vmem>>, vector<16xf32>,
      %swap3A_93 = vector.shape_cast %swap3A_92 : vector<16xf32> to vector<16xf32>
      %swap3A_94 = vector.shape_cast %add3A_90 : vector<16xf32> to vector<16xf32>
      tpu.vector_store %arg9[%swap3A_91], %swap3A_94 {strides = array<i32>} : memref<128xf32, #tpu.memory_space<vmem>>, vector<16xf32>,
      %get3A_95 = arith.constant 0 : i32
      %get3A_96 = arith.index_cast %get3A_95 : i32 to index
      %get3A_97 = arith.constant 48 : index
      %get3A_98 = tpu.vector_load %arg6[%get3A_96, %get3A_97] {strides = array<i32>} : memref<1x128xf32, #tpu.memory_space<vmem>>, vector<1x16xf32>,
      %get3A_99 = vector.shape_cast %get3A_98 : vector<1x16xf32> to vector<16xf32>
      %get3A_100 = arith.index_cast %scan3A_51 : i32 to index
      %get3A_101 = arith.constant 48 : index
      %get3A_102 = tpu.vector_load %arg7[%get3A_100, %get3A_101] {strides = array<i32>} : memref<64x128xf32, #tpu.memory_space<vmem>>, vector<1x16xf32>,
      %get3A_103 = vector.shape_cast %get3A_102 : vector<1x16xf32> to vector<16xf32>
      %add3A_104 = arith.addf %get3A_99, %get3A_103 : vector<16xf32>
      %swap3A_105 = arith.constant 48 : index
      %swap3A_106 = tpu.vector_load %arg9[%swap3A_105] {strides = array<i32>} : memref<128xf32, #tpu.memory_space<vmem>>, vector<16xf32>,
      %swap3A_107 = vector.shape_cast %swap3A_106 : vector<16xf32> to vector<16xf32>
      %swap3A_108 = vector.shape_cast %add3A_104 : vector<16xf32> to vector<16xf32>
      tpu.vector_store %arg9[%swap3A_105], %swap3A_108 {strides = array<i32>} : memref<128xf32, #tpu.memory_space<vmem>>, vector<16xf32>,
      %get3A_109 = arith.constant 0 : i32
      %get3A_110 = arith.index_cast %get3A_109 : i32 to index
      %get3A_111 = arith.constant 64 : index
      %get3A_112 = tpu.vector_load %arg6[%get3A_110, %get3A_111] {strides = array<i32>} : memref<1x128xf32, #tpu.memory_space<vmem>>, vector<1x16xf32>,
      %get3A_113 = vector.shape_cast %get3A_112 : vector<1x16xf32> to vector<16xf32>
      %get3A_114 = arith.index_cast %scan3A_51 : i32 to index
      %get3A_115 = arith.constant 64 : index
      %get3A_116 = tpu.vector_load %arg7[%get3A_114, %get3A_115] {strides = array<i32>} : memref<64x128xf32, #tpu.memory_space<vmem>>, vector<1x16xf32>,
      %get3A_117 = vector.shape_cast %get3A_116 : vector<1x16xf32> to vector<16xf32>
      %add3A_118 = arith.addf %get3A_113, %get3A_117 : vector<16xf32>
      %swap3A_119 = arith.constant 64 : index
      %swap3A_120 = tpu.vector_load %arg9[%swap3A_119] {strides = array<i32>} : memref<128xf32, #tpu.memory_space<vmem>>, vector<16xf32>,
      %swap3A_121 = vector.shape_cast %swap3A_120 : vector<16xf32> to vector<16xf32>
      %swap3A_122 = vector.shape_cast %add3A_118 : vector<16xf32> to vector<16xf32>
      tpu.vector_store %arg9[%swap3A_119], %swap3A_122 {strides = array<i32>} : memref<128xf32, #tpu.memory_space<vmem>>, vector<16xf32>,
      %get3A_123 = arith.constant 0 : i32
      %get3A_124 = arith.index_cast %get3A_123 : i32 to index
      %get3A_125 = arith.constant 80 : index
      %get3A_126 = tpu.vector_load %arg6[%get3A_124, %get3A_125] {strides = array<i32>} : memref<1x128xf32, #tpu.memory_space<vmem>>, vector<1x16xf32>,
      %get3A_127 = vector.shape_cast %get3A_126 : vector<1x16xf32> to vector<16xf32>
      %get3A_128 = arith.index_cast %scan3A_51 : i32 to index
      %get3A_129 = arith.constant 80 : index
      %get3A_130 = tpu.vector_load %arg7[%get3A_128, %get3A_129] {strides = array<i32>} : memref<64x128xf32, #tpu.memory_space<vmem>>, vector<1x16xf32>,
      %get3A_131 = vector.shape_cast %get3A_130 : vector<1x16xf32> to vector<16xf32>
      %add3A_132 = arith.addf %get3A_127, %get3A_131 : vector<16xf32>
      %swap3A_133 = arith.constant 80 : index
      %swap3A_134 = tpu.vector_load %arg9[%swap3A_133] {strides = array<i32>} : memref<128xf32, #tpu.memory_space<vmem>>, vector<16xf32>,
      %swap3A_135 = vector.shape_cast %swap3A_134 : vector<16xf32> to vector<16xf32>
      %swap3A_136 = vector.shape_cast %add3A_132 : vector<16xf32> to vector<16xf32>
      tpu.vector_store %arg9[%swap3A_133], %swap3A_136 {strides = array<i32>} : memref<128xf32, #tpu.memory_space<vmem>>, vector<16xf32>,
      %get3A_137 = arith.constant 0 : i32
      %get3A_138 = arith.index_cast %get3A_137 : i32 to index
      %get3A_139 = arith.constant 96 : index
      %get3A_140 = tpu.vector_load %arg6[%get3A_138, %get3A_139] {strides = array<i32>} : memref<1x128xf32, #tpu.memory_space<vmem>>, vector<1x16xf32>,
      %get3A_141 = vector.shape_cast %get3A_140 : vector<1x16xf32> to vector<16xf32>
      %get3A_142 = arith.index_cast %scan3A_51 : i32 to index
      %get3A_143 = arith.constant 96 : index
      %get3A_144 = tpu.vector_load %arg7[%get3A_142, %get3A_143] {strides = array<i32>} : memref<64x128xf32, #tpu.memory_space<vmem>>, vector<1x16xf32>,
      %get3A_145 = vector.shape_cast %get3A_144 : vector<1x16xf32> to vector<16xf32>
      %add3A_146 = arith.addf %get3A_141, %get3A_145 : vector<16xf32>
      %swap3A_147 = arith.constant 96 : index
      %swap3A_148 = tpu.vector_load %arg9[%swap3A_147] {strides = array<i32>} : memref<128xf32, #tpu.memory_space<vmem>>, vector<16xf32>,
      %swap3A_149 = vector.shape_cast %swap3A_148 : vector<16xf32> to vector<16xf32>
      %swap3A_150 = vector.shape_cast %add3A_146 : vector<16xf32> to vector<16xf32>
      tpu.vector_store %arg9[%swap3A_147], %swap3A_150 {strides = array<i32>} : memref<128xf32, #tpu.memory_space<vmem>>, vector<16xf32>,
      %get3A_151 = arith.constant 0 : i32
      %get3A_152 = arith.index_cast %get3A_151 : i32 to index
      %get3A_153 = arith.constant 112 : index
      %get3A_154 = tpu.vector_load %arg6[%get3A_152, %get3A_153] {strides = array<i32>} : memref<1x128xf32, #tpu.memory_space<vmem>>, vector<1x16xf32>,
      %get3A_155 = vector.shape_cast %get3A_154 : vector<1x16xf32> to vector<16xf32>
      %get3A_156 = arith.index_cast %scan3A_51 : i32 to index
      %get3A_157 = arith.constant 112 : index
      %get3A_158 = tpu.vector_load %arg7[%get3A_156, %get3A_157] {strides = array<i32>} : memref<64x128xf32, #tpu.memory_space<vmem>>, vector<1x16xf32>,
      %get3A_159 = vector.shape_cast %get3A_158 : vector<1x16xf32> to vector<16xf32>
      %add3A_160 = arith.addf %get3A_155, %get3A_159 : vector<16xf32>
      %swap3A_161 = arith.constant 112 : index
      %swap3A_162 = tpu.vector_load %arg9[%swap3A_161] {strides = array<i32>} : memref<128xf32, #tpu.memory_space<vmem>>, vector<16xf32>,
      %swap3A_163 = vector.shape_cast %swap3A_162 : vector<16xf32> to vector<16xf32>
      %swap3A_164 = vector.shape_cast %add3A_160 : vector<16xf32> to vector<16xf32>
      tpu.vector_store %arg9[%swap3A_161], %swap3A_164 {strides = array<i32>} : memref<128xf32, #tpu.memory_space<vmem>>, vector<16xf32>,
      %scan3A_165 = arith.constant 0 : i32
      %scan3A_166 = arith.constant 0 : i32
      %scan3A_167 = arith.constant 64 : i32
      %scan3A_168 = arith.addi %scan3A_166, %scan3A_167 : i32
      %scan3A_169 = arith.constant 1 : i32
      scf.for %scan3A_190 = %scan3A_166 to %scan3A_168 step %scan3A_169  : i32 {
        %get3A_191 = arith.index_cast %scan3A_190 : i32 to index
        %get3A_192 = arith.constant 0 : index
        %get3A_193 = tpu.vector_load %arg8[%get3A_191, %get3A_192] {strides = array<i32>} : memref<64x128xf32, #tpu.memory_space<vmem>>, vector<1x16xf32>,
        %get3A_194 = vector.shape_cast %get3A_193 : vector<1x16xf32> to vector<16xf32>
        %get3A_195 = arith.constant 0 : index
        %get3A_196 = tpu.vector_load %arg9[%get3A_195] {strides = array<i32>} : memref<128xf32, #tpu.memory_space<vmem>>, vector<16xf32>,
        %get3A_197 = vector.shape_cast %get3A_196 : vector<16xf32> to vector<16xf32>
        %add3A_198 = arith.addf %get3A_194, %get3A_197 : vector<16xf32>
        %swap3A_199 = arith.index_cast %rem3A_52 : i32 to index
        %swap3A_200 = arith.index_cast %scan3A_190 : i32 to index
        %swap3A_201 = arith.constant 0 : index
        %swap3A_202 = tpu.vector_load %arg10[%swap3A_199, %swap3A_200, %swap3A_201] {strides = array<i32>} : memref<2x64x128xf32, #tpu.memory_space<vmem>>, vector<1x1x16xf32>,
        %swap3A_203 = vector.shape_cast %swap3A_202 : vector<1x1x16xf32> to vector<16xf32>
        %swap3A_204 = vector.shape_cast %add3A_198 : vector<16xf32> to vector<1x1x16xf32>
        tpu.vector_store %arg10[%swap3A_199, %swap3A_200, %swap3A_201], %swap3A_204 {strides = array<i32>} : memref<2x64x128xf32, #tpu.memory_space<vmem>>, vector<1x1x16xf32>,
        %get3A_205 = arith.index_cast %scan3A_190 : i32 to index
        %get3A_206 = arith.constant 16 : index
        %get3A_207 = tpu.vector_load %arg8[%get3A_205, %get3A_206] {strides = array<i32>} : memref<64x128xf32, #tpu.memory_space<vmem>>, vector<1x16xf32>,
        %get3A_208 = vector.shape_cast %get3A_207 : vector<1x16xf32> to vector<16xf32>
        %get3A_209 = arith.constant 16 : index
        %get3A_210 = tpu.vector_load %arg9[%get3A_209] {strides = array<i32>} : memref<128xf32, #tpu.memory_space<vmem>>, vector<16xf32>,
        %get3A_211 = vector.shape_cast %get3A_210 : vector<16xf32> to vector<16xf32>
        %add3A_212 = arith.addf %get3A_208, %get3A_211 : vector<16xf32>
        %swap3A_213 = arith.index_cast %rem3A_52 : i32 to index
        %swap3A_214 = arith.index_cast %scan3A_190 : i32 to index
        %swap3A_215 = arith.constant 16 : index
        %swap3A_216 = tpu.vector_load %arg10[%swap3A_213, %swap3A_214, %swap3A_215] {strides = array<i32>} : memref<2x64x128xf32, #tpu.memory_space<vmem>>, vector<1x1x16xf32>,
        %swap3A_217 = vector.shape_cast %swap3A_216 : vector<1x1x16xf32> to vector<16xf32>
        %swap3A_218 = vector.shape_cast %add3A_212 : vector<16xf32> to vector<1x1x16xf32>
        tpu.vector_store %arg10[%swap3A_213, %swap3A_214, %swap3A_215], %swap3A_218 {strides = array<i32>} : memref<2x64x128xf32, #tpu.memory_space<vmem>>, vector<1x1x16xf32>,
        %get3A_219 = arith.index_cast %scan3A_190 : i32 to index
        %get3A_220 = arith.constant 32 : index
        %get3A_221 = tpu.vector_load %arg8[%get3A_219, %get3A_220] {strides = array<i32>} : memref<64x128xf32, #tpu.memory_space<vmem>>, vector<1x16xf32>,
        %get3A_222 = vector.shape_cast %get3A_221 : vector<1x16xf32> to vector<16xf32>
        %get3A_223 = arith.constant 32 : index
        %get3A_224 = tpu.vector_load %arg9[%get3A_223] {strides = array<i32>} : memref<128xf32, #tpu.memory_space<vmem>>, vector<16xf32>,
        %get3A_225 = vector.shape_cast %get3A_224 : vector<16xf32> to vector<16xf32>
        %add3A_226 = arith.addf %get3A_222, %get3A_225 : vector<16xf32>
        %swap3A_227 = arith.index_cast %rem3A_52 : i32 to index
        %swap3A_228 = arith.index_cast %scan3A_190 : i32 to index
        %swap3A_229 = arith.constant 32 : index
        %swap3A_230 = tpu.vector_load %arg10[%swap3A_227, %swap3A_228, %swap3A_229] {strides = array<i32>} : memref<2x64x128xf32, #tpu.memory_space<vmem>>, vector<1x1x16xf32>,
        %swap3A_231 = vector.shape_cast %swap3A_230 : vector<1x1x16xf32> to vector<16xf32>
        %swap3A_232 = vector.shape_cast %add3A_226 : vector<16xf32> to vector<1x1x16xf32>
        tpu.vector_store %arg10[%swap3A_227, %swap3A_228, %swap3A_229], %swap3A_232 {strides = array<i32>} : memref<2x64x128xf32, #tpu.memory_space<vmem>>, vector<1x1x16xf32>,
        %get3A_233 = arith.index_cast %scan3A_190 : i32 to index
        %get3A_234 = arith.constant 48 : index
        %get3A_235 = tpu.vector_load %arg8[%get3A_233, %get3A_234] {strides = array<i32>} : memref<64x128xf32, #tpu.memory_space<vmem>>, vector<1x16xf32>,
        %get3A_236 = vector.shape_cast %get3A_235 : vector<1x16xf32> to vector<16xf32>
        %get3A_237 = arith.constant 48 : index
        %get3A_238 = tpu.vector_load %arg9[%get3A_237] {strides = array<i32>} : memref<128xf32, #tpu.memory_space<vmem>>, vector<16xf32>,
        %get3A_239 = vector.shape_cast %get3A_238 : vector<16xf32> to vector<16xf32>
        %add3A_240 = arith.addf %get3A_236, %get3A_239 : vector<16xf32>
        %swap3A_241 = arith.index_cast %rem3A_52 : i32 to index
        %swap3A_242 = arith.index_cast %scan3A_190 : i32 to index
        %swap3A_243 = arith.constant 48 : index
        %swap3A_244 = tpu.vector_load %arg10[%swap3A_241, %swap3A_242, %swap3A_243] {strides = array<i32>} : memref<2x64x128xf32, #tpu.memory_space<vmem>>, vector<1x1x16xf32>,
        %swap3A_245 = vector.shape_cast %swap3A_244 : vector<1x1x16xf32> to vector<16xf32>
        %swap3A_246 = vector.shape_cast %add3A_240 : vector<16xf32> to vector<1x1x16xf32>
        tpu.vector_store %arg10[%swap3A_241, %swap3A_242, %swap3A_243], %swap3A_246 {strides = array<i32>} : memref<2x64x128xf32, #tpu.memory_space<vmem>>, vector<1x1x16xf32>,
        %get3A_247 = arith.index_cast %scan3A_190 : i32 to index
        %get3A_248 = arith.constant 64 : index
        %get3A_249 = tpu.vector_load %arg8[%get3A_247, %get3A_248] {strides = array<i32>} : memref<64x128xf32, #tpu.memory_space<vmem>>, vector<1x16xf32>,
        %get3A_250 = vector.shape_cast %get3A_249 : vector<1x16xf32> to vector<16xf32>
        %get3A_251 = arith.constant 64 : index
        %get3A_252 = tpu.vector_load %arg9[%get3A_251] {strides = array<i32>} : memref<128xf32, #tpu.memory_space<vmem>>, vector<16xf32>,
        %get3A_253 = vector.shape_cast %get3A_252 : vector<16xf32> to vector<16xf32>
        %add3A_254 = arith.addf %get3A_250, %get3A_253 : vector<16xf32>
        %swap3A_255 = arith.index_cast %rem3A_52 : i32 to index
        %swap3A_256 = arith.index_cast %scan3A_190 : i32 to index
        %swap3A_257 = arith.constant 64 : index
        %swap3A_258 = tpu.vector_load %arg10[%swap3A_255, %swap3A_256, %swap3A_257] {strides = array<i32>} : memref<2x64x128xf32, #tpu.memory_space<vmem>>, vector<1x1x16xf32>,
        %swap3A_259 = vector.shape_cast %swap3A_258 : vector<1x1x16xf32> to vector<16xf32>
        %swap3A_260 = vector.shape_cast %add3A_254 : vector<16xf32> to vector<1x1x16xf32>
        tpu.vector_store %arg10[%swap3A_255, %swap3A_256, %swap3A_257], %swap3A_260 {strides = array<i32>} : memref<2x64x128xf32, #tpu.memory_space<vmem>>, vector<1x1x16xf32>,
        %get3A_261 = arith.index_cast %scan3A_190 : i32 to index
        %get3A_262 = arith.constant 80 : index
        %get3A_263 = tpu.vector_load %arg8[%get3A_261, %get3A_262] {strides = array<i32>} : memref<64x128xf32, #tpu.memory_space<vmem>>, vector<1x16xf32>,
        %get3A_264 = vector.shape_cast %get3A_263 : vector<1x16xf32> to vector<16xf32>
        %get3A_265 = arith.constant 80 : index
        %get3A_266 = tpu.vector_load %arg9[%get3A_265] {strides = array<i32>} : memref<128xf32, #tpu.memory_space<vmem>>, vector<16xf32>,
        %get3A_267 = vector.shape_cast %get3A_266 : vector<16xf32> to vector<16xf32>
        %add3A_268 = arith.addf %get3A_264, %get3A_267 : vector<16xf32>
        %swap3A_269 = arith.index_cast %rem3A_52 : i32 to index
        %swap3A_270 = arith.index_cast %scan3A_190 : i32 to index
        %swap3A_271 = arith.constant 80 : index
        %swap3A_272 = tpu.vector_load %arg10[%swap3A_269, %swap3A_270, %swap3A_271] {strides = array<i32>} : memref<2x64x128xf32, #tpu.memory_space<vmem>>, vector<1x1x16xf32>,
        %swap3A_273 = vector.shape_cast %swap3A_272 : vector<1x1x16xf32> to vector<16xf32>
        %swap3A_274 = vector.shape_cast %add3A_268 : vector<16xf32> to vector<1x1x16xf32>
        tpu.vector_store %arg10[%swap3A_269, %swap3A_270, %swap3A_271], %swap3A_274 {strides = array<i32>} : memref<2x64x128xf32, #tpu.memory_space<vmem>>, vector<1x1x16xf32>,
        %get3A_275 = arith.index_cast %scan3A_190 : i32 to index
        %get3A_276 = arith.constant 96 : index
        %get3A_277 = tpu.vector_load %arg8[%get3A_275, %get3A_276] {strides = array<i32>} : memref<64x128xf32, #tpu.memory_space<vmem>>, vector<1x16xf32>,
        %get3A_278 = vector.shape_cast %get3A_277 : vector<1x16xf32> to vector<16xf32>
        %get3A_279 = arith.constant 96 : index
        %get3A_280 = tpu.vector_load %arg9[%get3A_279] {strides = array<i32>} : memref<128xf32, #tpu.memory_space<vmem>>, vector<16xf32>,
        %get3A_281 = vector.shape_cast %get3A_280 : vector<16xf32> to vector<16xf32>
        %add3A_282 = arith.addf %get3A_278, %get3A_281 : vector<16xf32>
        %swap3A_283 = arith.index_cast %rem3A_52 : i32 to index
        %swap3A_284 = arith.index_cast %scan3A_190 : i32 to index
        %swap3A_285 = arith.constant 96 : index
        %swap3A_286 = tpu.vector_load %arg10[%swap3A_283, %swap3A_284, %swap3A_285] {strides = array<i32>} : memref<2x64x128xf32, #tpu.memory_space<vmem>>, vector<1x1x16xf32>,
        %swap3A_287 = vector.shape_cast %swap3A_286 : vector<1x1x16xf32> to vector<16xf32>
        %swap3A_288 = vector.shape_cast %add3A_282 : vector<16xf32> to vector<1x1x16xf32>
        tpu.vector_store %arg10[%swap3A_283, %swap3A_284, %swap3A_285], %swap3A_288 {strides = array<i32>} : memref<2x64x128xf32, #tpu.memory_space<vmem>>, vector<1x1x16xf32>,
        %get3A_289 = arith.index_cast %scan3A_190 : i32 to index
        %get3A_290 = arith.constant 112 : index
        %get3A_291 = tpu.vector_load %arg8[%get3A_289, %get3A_290] {strides = array<i32>} : memref<64x128xf32, #tpu.memory_space<vmem>>, vector<1x16xf32>,
        %get3A_292 = vector.shape_cast %get3A_291 : vector<1x16xf32> to vector<16xf32>
        %get3A_293 = arith.constant 112 : index
        %get3A_294 = tpu.vector_load %arg9[%get3A_293] {strides = array<i32>} : memref<128xf32, #tpu.memory_space<vmem>>, vector<16xf32>,
        %get3A_295 = vector.shape_cast %get3A_294 : vector<16xf32> to vector<16xf32>
        %add3A_296 = arith.addf %get3A_292, %get3A_295 : vector<16xf32>
        %swap3A_297 = arith.index_cast %rem3A_52 : i32 to index
        %swap3A_298 = arith.index_cast %scan3A_190 : i32 to index
        %swap3A_299 = arith.constant 112 : index
        %swap3A_300 = tpu.vector_load %arg10[%swap3A_297, %swap3A_298, %swap3A_299] {strides = array<i32>} : memref<2x64x128xf32, #tpu.memory_space<vmem>>, vector<1x1x16xf32>,
        %swap3A_301 = vector.shape_cast %swap3A_300 : vector<1x1x16xf32> to vector<16xf32>
        %swap3A_302 = vector.shape_cast %add3A_296 : vector<16xf32> to vector<1x1x16xf32>
        tpu.vector_store %arg10[%swap3A_297, %swap3A_298, %swap3A_299], %swap3A_302 {strides = array<i32>} : memref<2x64x128xf32, #tpu.memory_space<vmem>>, vector<1x1x16xf32>,
      }
      %scan3A_170 = arith.constant 64 : i32
      %mul3A_171 = arith.constant 64 : i32
      %mul3A_172 = arith.muli %scan3A_51, %mul3A_171 : i32
      %add3A_173 = arith.addi %mul3A_4, %mul3A_172 : i32
      %dma_start3A = arith.constant 0 : i32
      %dma_start3A_174 = arith.constant 0 : i32
      %dma_start3A_175 = arith.constant 0 : i32
      %dma_start3A_176 = tpu.memref_slice %arg10[%rem3A_52, %dma_start3A_174, %dma_start3A_175] : memref<2x64x128xf32, #tpu.memory_space<vmem>> -> memref<1x64x128xf32, #tpu.memory_space<vmem>>
      %dma_start3A_177 = tpu.memref_squeeze %dma_start3A_176 : memref<1x64x128xf32, #tpu.memory_space<vmem>> -> memref<64x128xf32, #tpu.memory_space<vmem>>
      %dma_start3A_178 = arith.constant 0 : i32
      %dma_start3A_179 = tpu.memref_slice %arg5[%dma_start3A, %add3A_173, %dma_start3A_178] : memref<1x131072x128xf32, #tpu.memory_space<hbm>> -> memref<1x64x128xf32, #tpu.memory_space<hbm>>
      %dma_start3A_180 = tpu.memref_squeeze %dma_start3A_179 : memref<1x64x128xf32, #tpu.memory_space<hbm>> -> memref<64x128xf32, #tpu.memory_space<hbm>>
      %dma_start3A_181 = tpu.memref_slice %arg11[%rem3A_52] : memref<2x!tpu.dma_semaphore, #tpu.memory_space<semaphore_mem>> -> memref<1x!tpu.dma_semaphore, #tpu.memory_space<semaphore_mem>>
      %dma_start3A_182 = tpu.memref_squeeze %dma_start3A_181 : memref<1x!tpu.dma_semaphore, #tpu.memory_space<semaphore_mem>> -> memref<!tpu.dma_semaphore, #tpu.memory_space<semaphore_mem>>
      %dma_start3A_183 = arith.constant 0 : i32
      %dma_start3A_184 = tpu.memref_slice %arg5[%dma_start3A, %add3A_173, %dma_start3A_183] : memref<1x131072x128xf32, #tpu.memory_space<hbm>> -> memref<1x64x128xf32, #tpu.memory_space<hbm>>
      %dma_start3A_185 = tpu.memref_squeeze %dma_start3A_184 : memref<1x64x128xf32, #tpu.memory_space<hbm>> -> memref<64x128xf32, #tpu.memory_space<hbm>>
      %dma_start3A_186 = arith.constant 0 : i32
      %dma_start3A_187 = arith.constant 0 : i32
      %dma_start3A_188 = tpu.memref_slice %arg10[%rem3A_52, %dma_start3A_186, %dma_start3A_187] : memref<2x64x128xf32, #tpu.memory_space<vmem>> -> memref<1x64x128xf32, #tpu.memory_space<vmem>>
      %dma_start3A_189 = tpu.memref_squeeze %dma_start3A_188 : memref<1x64x128xf32, #tpu.memory_space<vmem>> -> memref<64x128xf32, #tpu.memory_space<vmem>>
      tpu.enqueue_dma source(%dma_start3A_189 : memref<64x128xf32, #tpu.memory_space<vmem>>) target(%dma_start3A_185 : memref<64x128xf32, #tpu.memory_space<hbm>>) target_semaphore(%dma_start3A_182 : memref<!tpu.dma_semaphore, #tpu.memory_space<semaphore_mem>>)
    }
    %scan3A_9 = arith.constant 64 : i32
    %add3A_10 = arith.constant 3968 : i32
    %add3A_11 = arith.addi %mul3A_4, %add3A_10 : i32
    %dma_wait3A = arith.constant 0 : i32
    %dma_wait3A_12 = arith.constant 0 : i32
    %dma_wait3A_13 = arith.constant 0 : i32
    %dma_wait3A_14 = arith.constant 0 : i32
    %dma_wait3A_15 = arith.constant 0 : i32
    %dma_wait3A_16 = tpu.memref_slice %arg10[%dma_wait3A, %dma_wait3A_14, %dma_wait3A_15] : memref<2x64x128xf32, #tpu.memory_space<vmem>> -> memref<1x64x128xf32, #tpu.memory_space<vmem>>
    %dma_wait3A_17 = tpu.memref_squeeze %dma_wait3A_16 : memref<1x64x128xf32, #tpu.memory_space<vmem>> -> memref<64x128xf32, #tpu.memory_space<vmem>>
    %dma_wait3A_18 = arith.constant 0 : i32
    %dma_wait3A_19 = tpu.memref_slice %arg5[%dma_wait3A_12, %add3A_11, %dma_wait3A_18] : memref<1x131072x128xf32, #tpu.memory_space<hbm>> -> memref<1x64x128xf32, #tpu.memory_space<hbm>>
    %dma_wait3A_20 = tpu.memref_squeeze %dma_wait3A_19 : memref<1x64x128xf32, #tpu.memory_space<hbm>> -> memref<64x128xf32, #tpu.memory_space<hbm>>
    %dma_wait3A_21 = tpu.memref_slice %arg11[%dma_wait3A_13] : memref<2x!tpu.dma_semaphore, #tpu.memory_space<semaphore_mem>> -> memref<1x!tpu.dma_semaphore, #tpu.memory_space<semaphore_mem>>
    %dma_wait3A_22 = tpu.memref_squeeze %dma_wait3A_21 : memref<1x!tpu.dma_semaphore, #tpu.memory_space<semaphore_mem>> -> memref<!tpu.dma_semaphore, #tpu.memory_space<semaphore_mem>>
    %dma_wait3A_23 = arith.constant 0 : i32
    %dma_wait3A_24 = tpu.memref_slice %arg5[%dma_wait3A_12, %add3A_11, %dma_wait3A_23] : memref<1x131072x128xf32, #tpu.memory_space<hbm>> -> memref<1x64x128xf32, #tpu.memory_space<hbm>>
    %dma_wait3A_25 = tpu.memref_squeeze %dma_wait3A_24 : memref<1x64x128xf32, #tpu.memory_space<hbm>> -> memref<64x128xf32, #tpu.memory_space<hbm>>
    %dma_wait3A_26 = arith.constant 0 : i32
    %dma_wait3A_27 = arith.constant 0 : i32
    %dma_wait3A_28 = tpu.memref_slice %arg10[%dma_wait3A, %dma_wait3A_26, %dma_wait3A_27] : memref<2x64x128xf32, #tpu.memory_space<vmem>> -> memref<1x64x128xf32, #tpu.memory_space<vmem>>
    %dma_wait3A_29 = tpu.memref_squeeze %dma_wait3A_28 : memref<1x64x128xf32, #tpu.memory_space<vmem>> -> memref<64x128xf32, #tpu.memory_space<vmem>>
    tpu.wait_dma2 semaphore(%dma_wait3A_22 : memref<!tpu.dma_semaphore, #tpu.memory_space<semaphore_mem>>) src(%dma_wait3A_29 : memref<64x128xf32, #tpu.memory_space<vmem>>) dst(%dma_wait3A_25 : memref<64x128xf32, #tpu.memory_space<hbm>>)
    %add3A_30 = arith.constant 4032 : i32
    %add3A_31 = arith.addi %mul3A_4, %add3A_30 : i32
    %dma_wait3A_32 = arith.constant 1 : i32
    %dma_wait3A_33 = arith.constant 0 : i32
    %dma_wait3A_34 = arith.constant 1 : i32
    %dma_wait3A_35 = arith.constant 0 : i32
    %dma_wait3A_36 = arith.constant 0 : i32
    %dma_wait3A_37 = tpu.memref_slice %arg10[%dma_wait3A_32, %dma_wait3A_35, %dma_wait3A_36] : memref<2x64x128xf32, #tpu.memory_space<vmem>> -> memref<1x64x128xf32, #tpu.memory_space<vmem>>
    %dma_wait3A_38 = tpu.memref_squeeze %dma_wait3A_37 : memref<1x64x128xf32, #tpu.memory_space<vmem>> -> memref<64x128xf32, #tpu.memory_space<vmem>>
    %dma_wait3A_39 = arith.constant 0 : i32
    %dma_wait3A_40 = tpu.memref_slice %arg5[%dma_wait3A_33, %add3A_31, %dma_wait3A_39] : memref<1x131072x128xf32, #tpu.memory_space<hbm>> -> memref<1x64x128xf32, #tpu.memory_space<hbm>>
    %dma_wait3A_41 = tpu.memref_squeeze %dma_wait3A_40 : memref<1x64x128xf32, #tpu.memory_space<hbm>> -> memref<64x128xf32, #tpu.memory_space<hbm>>
    %dma_wait3A_42 = tpu.memref_slice %arg11[%dma_wait3A_34] : memref<2x!tpu.dma_semaphore, #tpu.memory_space<semaphore_mem>> -> memref<1x!tpu.dma_semaphore, #tpu.memory_space<semaphore_mem>>
    %dma_wait3A_43 = tpu.memref_squeeze %dma_wait3A_42 : memref<1x!tpu.dma_semaphore, #tpu.memory_space<semaphore_mem>> -> memref<!tpu.dma_semaphore, #tpu.memory_space<semaphore_mem>>
    %dma_wait3A_44 = arith.constant 0 : i32
    %dma_wait3A_45 = tpu.memref_slice %arg5[%dma_wait3A_33, %add3A_31, %dma_wait3A_44] : memref<1x131072x128xf32, #tpu.memory_space<hbm>> -> memref<1x64x128xf32, #tpu.memory_space<hbm>>
    %dma_wait3A_46 = tpu.memref_squeeze %dma_wait3A_45 : memref<1x64x128xf32, #tpu.memory_space<hbm>> -> memref<64x128xf32, #tpu.memory_space<hbm>>
    %dma_wait3A_47 = arith.constant 0 : i32
    %dma_wait3A_48 = arith.constant 0 : i32
    %dma_wait3A_49 = tpu.memref_slice %arg10[%dma_wait3A_32, %dma_wait3A_47, %dma_wait3A_48] : memref<2x64x128xf32, #tpu.memory_space<vmem>> -> memref<1x64x128xf32, #tpu.memory_space<vmem>>
    %dma_wait3A_50 = tpu.memref_squeeze %dma_wait3A_49 : memref<1x64x128xf32, #tpu.memory_space<vmem>> -> memref<64x128xf32, #tpu.memory_space<vmem>>
    tpu.wait_dma2 semaphore(%dma_wait3A_43 : memref<!tpu.dma_semaphore, #tpu.memory_space<semaphore_mem>>) src(%dma_wait3A_50 : memref<64x128xf32, #tpu.memory_space<vmem>>) dst(%dma_wait3A_46 : memref<64x128xf32, #tpu.memory_space<hbm>>)
    return
  }
}

</mosaic_0001>

<sc_bundles>
// kernel: kernel.3.cloned.1.call-start
scs
__scs_entry_jumppad:
0x0: {  	(pc) =	sbr.rel $0x88, $3  }
0x1: {  	(tag) =	ssettag $0x0;
	lr =	simm.s32 $0x1  }
0x2: {  	[smem:$0x3F9B] =	sst lr;
	_ =	strace $0xD0000000  }
0x3: {  	_ = 	snop  }
0x4: {  	_ = 	snop  }
0x5: {  	_ = 	snop  }
0x6: {  	_ = 	snop  }
0x7: {  	_ = 	snop  }
__scs_overlays_trampoline_lowered:
0x8: {  	[smem:$0x3FAA] =	sst s0  }
0x9: {  	[smem:$0x3FAB] =	sst s1  }
0xa: {  	[smem:$0x3FAC] =	sst s2  }
0xb: {  	[smem:$0x3FAD] =	sst s3  }
0xc: {  	[smem:$0x3FAE] =	sst s4  }
0xd: {  	[smem:$0x3FAF] =	sst s5  }
0xe: {  	[smem:$0x3FB0] =	sst s6  }
0xf: {  	[smem:$0x3FB1] =	sst s7  }
0x10: {  	[smem:$0x3FB2] =	sst s8  }
0x11: {  	[smem:$0x3FB3] =	sst s9;
	s0 =	simm.s32 @!p0 $0x0  }
0x12: {  	s1 =	sld [smem:$0x3F99];
	s0 =	simm.s32 @p0 $0x1  }
0x13: {  	[smem:$0x3FB4] =	sst s0;
	s0 =	simm.s32 @!p1 $0x0  }
0x14: {  	s2 =	sld [smem:$0x3F98];
	s0 =	simm.s32 @p1 $0x1  }
0x15: {  	[smem:$0x3FB5] =	sst s0;
	s0 =	simm.s32 @!p2 $0x0  }
0x16: {  	s3 =	sld [smem:$0x3FDB];
	s0 =	simm.s32 @p2 $0x1  }
0x17: {  	s4 =	simm.s32 $0x1BF5;
	[smem:$0x3FB7] =	sst s0  }
0x18: {  	s0 =	sld [smem:$0x3F9A];
	_ =	swait.ge [sflag:s4], $0x0  }
0x19: {  	s7 =	sld [smem:$0x3F9B]  }
0x1a: {  	s8 =	sadd.s32 $0xFFFFE003, lr  }
0x1b: {  	s9 =	sadd.s32 $0xFFFFFEF7, lr;
	s5 =	simm.s32 $0xFFFFFFFF;
	p2 =	slt.u32 s8, $0xFFFFF086  }
0x1c: {  	p1 =	slt.u32 s9, $0xF7A;
	s5 =	simm.s32 @!p2 $0x0  }
0x1d: {  	s5 =	simm.s32 @p1 $0x1;
	p0 =	seq.s32 s7, s2  }
0x1e: {  	s7 =	smul.u32 @!p0 $0xF7A, s2;
	p2 =	seq.s32 @!p0 s5, $0x0  }
0x1f: {  	s9 =	smul.u32 $0xF7A, s1;
	s8 =	simm.s32 @!p0 $0x1BF5;
	p2 =	por !p2, p0  }
0x20: {  	[sflag:s8] =	ssyncset.s32 @!p0 $0xFFFFF086;
	s6 =	sadd.s32 @!p0 s3, s7;
	s7 =	simm.s32 @!p0 $0x108  }
0x21: {  	s3 =	sadd.s32 s3, s9;
	s6 =	sadd.s32 @!p0 $0x88, s6;
	s7 =	simm.s32 @p2 $0x1082  }
0x22: {  	[simem:s7], [sflag:s8] =	dma.local @!p0 [hbm:s6], $0xF7A  }
0x23: {  	s9 =	sor.u32 $0xD0000000, s2;
	s6 =	simm.s32 $0x108;
	_ =	swait.ge @!p0 [sflag:s8], $0x0  }
0x24: {  	s3 =	sadd.s32 $0x88, s3;
	s6 =	simm.s32 @!p1 $0x1082;
	[sflag:s4] =	ssyncset.s32 $0xFFFFF086  }
0x25: {  	[simem:s6], [sflag:s4] =	dma.local [hbm:s3], $0xF7A  }
0x26: {  	[smem:$0x3F9B] =	sst s1;
	(tag) =	ssettag s2;
	_ =	strace s9  }
0x27: {  	s1 =	sld [smem:$0x3FAB]  }
0x28: {  	s2 =	sld [smem:$0x3FAC]  }
0x29: {  	s4 =	sld [smem:$0x3FAE]  }
0x2a: {  	p0 =	seq.s32 s5, $0x0;
	s5 =	sld [smem:$0x3FAF]  }
0x2b: {  	s6 =	sld [smem:$0x3FB0]  }
0x2c: {  	s7 =	sld [smem:$0x3FB1]  }
0x2d: {  	s3 =	simm.s32 $0x108;
	s8 =	sld [smem:$0x3FB2]  }
0x2e: {  	s3 =	simm.s32 @!p0 $0x1082;
	s9 =	sld [smem:$0x3FB3]  }
0x2f: {  	lr =	sadd.s32 s0, s3;
	s0 =	sld [smem:$0x3FAA]  }
0x30: {  	s3 =	sld [smem:$0x3FAD]  }
0x31: {  	[smem:$0x3FB6] =	sst s10  }
0x32: {  	s10 =	sld [smem:$0x3FB4];
	_ =	sdelay $0x3  }
0x33: {  	p0 =	seq.s32 s10, $0x1;
	s10 =	sld [smem:$0x3FB6];
	_ =	sdelay $0x3  }
0x34: {  	[smem:$0x3FB6] =	sst s10  }
0x35: {  	s10 =	sld [smem:$0x3FB5];
	_ =	sdelay $0x3  }
0x36: {  	p1 =	seq.s32 s10, $0x1;
	s10 =	sld [smem:$0x3FB6];
	_ =	sdelay $0x3  }
0x37: {  	[smem:$0x3FB6] =	sst s10  }
0x38: {  	s10 =	sld [smem:$0x3FB7]  }
0x39: {  	_ = 	snop;
	(pc) =	sbr.ind lr, $3  }
0x3a: {  	_ = 	snop  }
0x3b: {  	_ = 	snop  }
0x3c: {  	p2 =	seq.s32 s10, $0x1;
	s10 =	sld [smem:$0x3FB6]  }
0x3d: {  	_ =	shalt  }
0x3e: {  	_ =	shalt  }
0x3f: {  	_ =	shalt  }
0x40: {  	_ =	shalt  }
0x41: {  	_ =	shalt  }
0x42: {  	_ =	shalt  }
0x43: {  	_ =	shalt  }
0x44: {  	_ =	shalt  }
0x45: {  	_ =	shalt  }
0x46: {  	_ =	shalt  }
0x47: {  	_ =	shalt  }
0x48: {  	_ =	shalt  }
0x49: {  	_ =	shalt  }
0x4a: {  	_ =	shalt  }
0x4b: {  	_ =	shalt  }
0x4c: {  	_ =	shalt  }
0x4d: {  	_ =	shalt  }
0x4e: {  	_ =	shalt  }
0x4f: {  	_ =	shalt  }
0x50: {  	_ =	shalt  }
0x51: {  	_ =	shalt  }
0x52: {  	_ =	shalt  }
0x53: {  	_ =	shalt  }
0x54: {  	_ =	shalt  }
0x55: {  	_ =	shalt  }
0x56: {  	_ =	shalt  }
0x57: {  	_ =	shalt  }
0x58: {  	_ =	shalt  }
0x59: {  	_ =	shalt  }
0x5a: {  	_ =	shalt  }
0x5b: {  	_ =	shalt  }
0x5c: {  	_ =	shalt  }
0x5d: {  	_ =	shalt  }
0x5e: {  	_ =	shalt  }
0x5f: {  	_ =	shalt  }
0x60: {  	_ =	shalt  }
0x61: {  	_ =	shalt  }
0x62: {  	_ =	shalt  }
0x63: {  	_ =	shalt  }
0x64: {  	_ =	shalt  }
0x65: {  	_ =	shalt  }
0x66: {  	_ =	shalt  }
0x67: {  	_ =	shalt  }
0x68: {  	_ =	shalt  }
0x69: {  	_ =	shalt  }
0x6a: {  	_ =	shalt  }
0x6b: {  	_ =	shalt  }
0x6c: {  	_ =	shalt  }
0x6d: {  	_ =	shalt  }
0x6e: {  	_ =	shalt  }
0x6f: {  	_ =	shalt  }
0x70: {  	_ =	shalt  }
0x71: {  	_ =	shalt  }
0x72: {  	_ =	shalt  }
0x73: {  	_ =	shalt  }
0x74: {  	_ =	shalt  }
0x75: {  	_ =	shalt  }
0x76: {  	_ =	shalt  }
0x77: {  	_ =	shalt  }
0x78: {  	_ =	shalt  }
0x79: {  	_ =	shalt  }
0x7a: {  	_ =	shalt  }
0x7b: {  	_ =	shalt  }
0x7c: {  	_ =	shalt  }
0x7d: {  	_ =	shalt  }
0x7e: {  	_ =	shalt  }
0x7f: {  	_ =	shalt  }
0x80: {  	_ =	shalt  }
0x81: {  	_ =	shalt  }
0x82: {  	_ =	shalt  }
0x83: {  	_ =	shalt  }
0x84: {  	_ =	shalt  }
0x85: {  	_ =	shalt  }
0x86: {  	_ =	shalt  }
0x87: {  	_ =	shalt  }
.Lfunc_end0:
.L_simem_size_0:
called_computation_lowered:
.L_overlay_start_0:
0x88: {  	s2 =	sld [smem:$0x3FD9]  }
0x89: {  	s3 =	sld [smem:$0x3FFE];
	_ =	sdelay $0x1  }
0x8a: {  	s1 =	srdreg.scid  }
0x8b: {  	s0 =	sand.u32 $0x1, s1  }
0x8c: {  	s17 =	sshll.u32 s0, $0xA;
	s2 =	sadd.s32 s3, s2  }
0x8d: {  	s2 =	sadd.s32 s2, s17  }
0x8e: {  	[smem:$0x3FC2] =	sst s2  }
0x8f: {  	_ = 	snop  }
0x90: {  	s2 =	sld [smem:$0x3FD0];
	(tm) =	ssettm $0x1  }
0x91: {  	s18 =	sld [smem:$0x3FFB];
	_ =	sdelay $0x3  }
0x92: {  	_ =	strace s18  }
0x93: {  	s3 =	sld [smem:$0x3FFC];
	_ =	sdelay $0x3  }
0x94: {  	_ =	strace s3  }
0x95: {  	s3 =	sld [smem:$0x3FFD];
	_ =	sdelay $0x3  }
0x96: {  	_ =	strace s3  }
0x97: {  	_ =	strace $0x8FFFFFFF  }
0x98: {  	s19 =	sld [smem:$0x3FDB];
	_ =	sdelay $0x1  }
0x99: {  	s4 =	simm.s32 $_scs_section_size  }
0x9a: {  	s5 =	simm.s32 $_size__tile_overlayer_lowered;
	s6 =	simm.s32 $_tile_overlayer_lowered  }
0x9b: {  	s22 =	simm.s32 $0x1BFF;
	s21 =	sshll.u32 s6, $0x1;
	s3 =	sadd.s32 s4, s19  }
0x9c: {  	s7 =	simm.s32 $0x0;
	s20 =	sshll.u32 s5, $0x1;
	s5 =	sadd.s32 s21, s3  }
0x9d: {  	[timem:s7], [sflag:s22] =	dma.local [hbm:s5], s20  }
0x9e: {  	_ =	swait.ge [sflag:s22], s20  }
0x9f: {  	s4 =	ssub.s32 $0x0, s20;
	[sflag:s22] =	ssyncset.done $0x0  }
0xa0: {  	[sflag:s22] =	ssyncadd.s32 s4;
	_ =	sdelay $0x1  }
0xa1: {  	s23 =	simm.s32 $0x1B8B  }
0xa2: {  	_ =	swait.ge [sflag:s23], $0x1  }
0xa3: {  	[sflag:s23] =	ssyncset.done $0x0  }
0xa4: {  	s25 =	simm.s32 $0x1B8E;
	s24 =	sld [smem:$0x3FFE];
	[sflag:s23] =	ssyncadd.s32 $0xFFFFFFFF  }
0xa5: {  	s26 =	simm.s32 $execute0_lowered;
	[smem:$0x3FD2] =	sst s25  }
0xa6: {  	s5 =	sshll.u32 s26, $0x1;
	_ =	strace $0x80000046;
	[dreg:$0x1] =	wrdreg $0xFFFFFFFF  }
0xa7: {  	s28 =	simm.s32 $_size_execute0_lowered;
	s3 =	sadd.s32 s3, s5;
	[dreg:$0x0] =	wrdreg $0x0  }
0xa8: {  	s5 =	sshll.u32 s28, $0x1;
	[dreg:$0x2] =	wrdreg s3  }
0xa9: {  	[dreg:$0x3] =	wrdreg s5  }
0xaa: {  	[dreg:$0x4] =	wrdreg $0xC0  }
0xab: {  	_ =	task [dreg:s7], $0x5FFFF  }
0xac: {  	[dreg:$0x1] =	wrdreg $0xFFFFFFFF  }
0xad: {  	[dreg:$0x0] =	wrdreg $0x60  }
0xae: {  	[dreg:$0x2] =	wrdreg s24  }
0xaf: {  	[dreg:$0x3] =	wrdreg s2  }
0xb0: {  	[dreg:$0x4] =	wrdreg $0x9  }
0xb1: {  	_ =	task.clear_ibuf [dreg:s7], $0x5FFFF;
	_ =	strace $0x90000046  }
0xb2: {  	s29 =	simm.s32 $0x9;
	_ =	strace $0x80000048  }
0xb3: {  	_ =	swait.ge [sflag:s29], $0x1  }
0xb4: {  	[sflag:s29] =	ssyncadd.s32 $0xFFFFFFFF  }
0xb5: {  	_ =	strace $0x90000048  }
0xb6: {  	_ =	sfence  }
0xb7: {  	s30 =	sld [smem:$0x0];
	_ =	sdelay $0x2  }
0xb8: {  	s31 =	sshll.u32 s1, $0xD;
	s1 =	sshrl.u32 s1, $0x2  }
0xb9: {  	s3 =	sand.u32 $0x4000, s31;
	s1 =	sadd.s32 s1, s30  }
0xba: {  	s0 =	sor.u32 s3, s0;
	s1 =	sshll.u32 s1, $0x11  }
0xbb: {  	s0 =	sor.u32 s1, s0  }
0xbc: {  	s0 =	sadd.s32 $0x8F2B, s0  }
0xbd: {  	[sflag:s0] =	ssyncadd.remote.s32 $0x1  }
0xbe: {  	_ =	sfence.sel $0xFFFF  }
0xbf: {  	[dreg:$0x0] =	wrdreg $0xFFFFFFFF;
	(pc) =	sbr.abs _section_cstart, $3  }
0xc0: {  	[dreg:$0x1] =	wrdreg $0xFFFFFFFF  }
0xc1: {  	_ =	task.clear_ibuf [dreg:s7], $0x2FFFF;
	_ =	strace $0x9FFFFFFF  }
0xc2: {  	(tm) =	ssettm $0x7FFFFFFF  }
0xc3: {  	_ =	shalt  }
tec
execute0_lowered:
.L_overlay_start_1:
0x0: {  	(tag) =	ssettag $0x1  }
0x1: {  	s4 =	rddreg [dreg:$0x0]  }
0x2: {  	s6 =	rddreg [dreg:$0x1]  }
0x3: {  	s0 =	rddreg [dreg:$0x2];
	s3 =	srdreg.scid  }
0x4: {  	s1 =	stileid.u32;
	s2 =	simm.s32 $0x0;
	s10 =	simm.s32 $0x2080  }
0x5: {  	s11 =	simm.s32 $0x1;
	s12 =	simm.s32 $0x2;
	s13 =	simm.s32 $0x0  }
0x6: {  	s3 =	sand.u32 $0x1, s3;
	s5 =	sshll.u32 s1, $0x1;
	[smem:$0x7FF] =	sst s2  }
0x7: {  	s5 =	sor.u32 s3, s5;
	_ =	strace $0x80000047;
	s8 =	ssub.s32 $0x2, s3  }
0x8: {  	s3 =	sadd.s32 $0x1600, s4;
	s7 =	sshll.u32 s5, $0x4;
	s9 =	sshrl.u32 s8, $0x1  }
0x9: {  	s31 =	sshll.u32 s5, $0x10;
	s7 =	sadd.s32 s7, s4;
	s4 =	sadd.s32 $0xE00, s4  }
0xa: {  	s8 =	ssub.s32 s8, s9;
	s6 =	sadd.s32 s6, s31;
	s9 =	simm.s32 $0x80  }
0xb: {  	s5 =	sadd.s32 $0xA00, s7;
	s7 =	smax.u32 s8, $0x1;
	s8 =	simm.s32 $0x3  }
.LBB2_1:
0xc: {  	[tilespmem:s2], [sflag:$0x3] =	stream.linear.gather [hbm4b:s5+s2], $0x80, $0x38;
	[tilespmem:$0x8100] =	vst v63  }
0xd: {  	_ =	swait.ge [sflag:s8], $0x80  }
0xe: {  	[sflag:s8] =	ssyncset.done $0x0  }
0xf: {  	[sflag:s8] =	ssyncadd.s32 $0xFFFFFF80  }
0x10: {  	[tilespmem:s9], [sflag:$0x3] =	stream.linear.gather [hbm4b:s3+s2], $0x2000, $0x38;
	[tilespmem:$0x8100] =	vst v63  }
0x11: {  	_ =	swait.ge [sflag:s8], $0x2000  }
0x12: {  	[sflag:s8] =	ssyncset.done $0x0  }
0x13: {  	[sflag:s8] =	ssyncadd.s32 $0xFFFFE000  }
0x14: {  	[tilespmem:s10], [sflag:$0x3] =	stream.linear.gather [hbm4b:s4+s2], $0x2000, $0x38;
	[tilespmem:$0x8100] =	vst v63  }
0x15: {  	_ =	swait.ge [sflag:s8], $0x2000  }
0x16: {  	[sflag:s8] =	ssyncset.done $0x0  }
0x17: {  	p0 =	por $0x0, $0x0;
	s14 =	simm.s32 $0x0;
	[sflag:s8] =	ssyncadd.s32 $0xFFFFE000  }
.LBB2_2:
0x18: {  	s15 =	sand.u32 $0x1, s14;
	p1 =	slt.u32 s14, $0x2  }
0x19: {  	s16 =	sadd.s32 @!p1 $0x1, s15  }
0x1a: {  	_ =	swait.ge @!p1 [sflag:s16], $0x2000  }
0x1b: {  	[sflag:s16] =	ssyncset.done @!p1 $0x0  }
0x1c: {  	s30 =	sshll.u32 s14, $0x7;
	[sflag:s16] =	ssyncadd.s32 @!p1 $0xFFFFE000  }
0x1d: {  	s16 =	sand.u32 $0x3FFFFF80, s30;
	v0 =	vld [tilespmem:$0x0]  }
0x1e: {  	v1 =	vld [tilespmem:s16+$0x80];
	_ =	sdelay $0x4  }
0x1f: {  	v0 =	vadd.f32 v1, v0;
	_ =	sdelay $0x1  }
0x20: {  	[tilespmem:$0x4080] =	vst v0;
	v0 =	vld [tilespmem:$0x10]  }
0x21: {  	v1 =	vld [tilespmem:s16+$0x90];
	_ =	sdelay $0x4  }
0x22: {  	v0 =	vadd.f32 v1, v0;
	_ =	sdelay $0x1  }
0x23: {  	[tilespmem:$0x4090] =	vst v0;
	v0 =	vld [tilespmem:$0x20]  }
0x24: {  	v1 =	vld [tilespmem:s16+$0xA0];
	_ =	sdelay $0x4  }
0x25: {  	v0 =	vadd.f32 v1, v0;
	_ =	sdelay $0x1  }
0x26: {  	[tilespmem:$0x40A0] =	vst v0;
	v0 =	vld [tilespmem:$0x30]  }
0x27: {  	v1 =	vld [tilespmem:s16+$0xB0];
	_ =	sdelay $0x4  }
0x28: {  	v0 =	vadd.f32 v1, v0;
	_ =	sdelay $0x1  }
0x29: {  	[tilespmem:$0x40B0] =	vst v0;
	v0 =	vld [tilespmem:$0x40]  }
0x2a: {  	v1 =	vld [tilespmem:s16+$0xC0];
	_ =	sdelay $0x4  }
0x2b: {  	v0 =	vadd.f32 v1, v0;
	_ =	sdelay $0x1  }
0x2c: {  	[tilespmem:$0x40C0] =	vst v0;
	v0 =	vld [tilespmem:$0x50]  }
0x2d: {  	v1 =	vld [tilespmem:s16+$0xD0];
	_ =	sdelay $0x4  }
0x2e: {  	v0 =	vadd.f32 v1, v0;
	_ =	sdelay $0x1  }
0x2f: {  	[tilespmem:$0x40D0] =	vst v0;
	v0 =	vld [tilespmem:$0x60]  }
0x30: {  	v1 =	vld [tilespmem:s16+$0xE0];
	_ =	sdelay $0x4  }
0x31: {  	v0 =	vadd.f32 v1, v0;
	_ =	sdelay $0x1  }
0x32: {  	[tilespmem:$0x40E0] =	vst v0;
	v0 =	vld [tilespmem:$0x70]  }
0x33: {  	v1 =	vld [tilespmem:s16+$0xF0];
	_ =	sdelay $0x4  }
0x34: {  	v0 =	vadd.f32 v1, v0  }
0x35: {  	s17 =	simm.s32 $0x1  }
0x36: {  	s17 =	simm.s32 @!p0 $0x0;
	s16 =	simm.s32 $0x0;
	v1 =	vld [tilespmem:$0x4080];
	[tilespmem:$0x40F0] =	vst v0  }
0x37: {  	s17 =	sshll.u32 s17, $0xD;
	v2 =	vld [tilespmem:s16+$0x2080]  }
0x38: {  	s17 =	sor.u32 $0x4140, s17  }
0x39: {  	v0 =	vmov s17;
	_ =	sdelay $0x2  }
0x3a: {  	v1 =	vadd.f32 v1, v2;
	_ =	sdelay $0x1  }
0x3b: {  	[tilespmem:v0+s16+$0xFFFFFFC0 ss:$0x1] =	vst.idx.msk $0xffff, v1  }
0x3c: {  	v1 =	vld [tilespmem:s16+$0x2090]  }
0x3d: {  	v2 =	vld [tilespmem:$0x4090];
	_ =	sdelay $0x4  }
0x3e: {  	v1 =	vadd.f32 v2, v1;
	_ =	sdelay $0x1  }
0x3f: {  	[tilespmem:v0+s16+$0xFFFFFFD0 ss:$0x1] =	vst.idx.msk $0xffff, v1  }
0x40: {  	v1 =	vld [tilespmem:s16+$0x20A0]  }
0x41: {  	v2 =	vld [tilespmem:$0x40A0];
	_ =	sdelay $0x4  }
0x42: {  	v1 =	vadd.f32 v2, v1;
	_ =	sdelay $0x1  }
0x43: {  	[tilespmem:v0+s16+$0xFFFFFFE0 ss:$0x1] =	vst.idx.msk $0xffff, v1  }
0x44: {  	v1 =	vld [tilespmem:s16+$0x20B0]  }
0x45: {  	v2 =	vld [tilespmem:$0x40B0];
	_ =	sdelay $0x4  }
0x46: {  	v1 =	vadd.f32 v2, v1;
	_ =	sdelay $0x1  }
0x47: {  	[tilespmem:v0+s16+$0xFFFFFFF0 ss:$0x1] =	vst.idx.msk $0xffff, v1  }
0x48: {  	v1 =	vld [tilespmem:s16+$0x20C0]  }
0x49: {  	v2 =	vld [tilespmem:$0x40C0];
	_ =	sdelay $0x4  }
0x4a: {  	v1 =	vadd.f32 v2, v1;
	_ =	sdelay $0x1  }
0x4b: {  	[tilespmem:v0+s16+$0x0 ss:$0x1] =	vst.idx.msk $0xffff, v1  }
0x4c: {  	v1 =	vld [tilespmem:s16+$0x20D0]  }
0x4d: {  	v2 =	vld [tilespmem:$0x40D0];
	_ =	sdelay $0x4  }
0x4e: {  	v1 =	vadd.f32 v2, v1;
	_ =	sdelay $0x1  }
0x4f: {  	[tilespmem:v0+s16+$0x10 ss:$0x1] =	vst.idx.msk $0xffff, v1  }
0x50: {  	v1 =	vld [tilespmem:s16+$0x20E0]  }
0x51: {  	v2 =	vld [tilespmem:$0x40E0];
	_ =	sdelay $0x4  }
0x52: {  	v1 =	vadd.f32 v2, v1;
	_ =	sdelay $0x1  }
0x53: {  	s31 =	sshll.u32 s15, $0xD;
	[tilespmem:v0+s16+$0x20 ss:$0x1] =	vst.idx.msk $0xffff, v1  }
0x54: {  	s18 =	simm.s32 $0x200;
	s17 =	sor.u32 $0x4100, s31;
	v1 =	vld [tilespmem:s16+$0x20F0]  }
.LBB2_3:
0x55: {  	p1 =	sne.s32 s18, $0x7E00;
	v2 =	vld [tilespmem:$0x40F0];
	s19 =	smov.u32 s18;
	s18 =	sadd.s32 $0x200, s18  }
0x56: {  	_ =	sdelay $0x3  }
0x57: {  	v1 =	vadd.f32 v2, v1;
	_ =	sdelay $0x1  }
0x58: {  	[tilespmem:v0+s16+$0x30 ss:$0x1] =	vst.idx.msk $0xffff, v1  }
0x59: {  	s16 =	sshra.s32 s19, $0x2;
	v1 =	vld [tilespmem:$0x4080]  }
0x5a: {  	v2 =	vld [tilespmem:s16+$0x2080];
	_ =	sdelay $0x4  }
0x5b: {  	v1 =	vadd.f32 v1, v2;
	_ =	sdelay $0x1  }
0x5c: {  	[tilespmem:v0+s16+$0xFFFFFFC0 ss:$0x1] =	vst.idx.msk $0xffff, v1  }
0x5d: {  	v1 =	vld [tilespmem:s16+$0x2090]  }
0x5e: {  	v2 =	vld [tilespmem:$0x4090];
	_ =	sdelay $0x4  }
0x5f: {  	v1 =	vadd.f32 v2, v1;
	_ =	sdelay $0x1  }
0x60: {  	[tilespmem:v0+s16+$0xFFFFFFD0 ss:$0x1] =	vst.idx.msk $0xffff, v1  }
0x61: {  	v1 =	vld [tilespmem:s16+$0x20A0]  }
0x62: {  	v2 =	vld [tilespmem:$0x40A0];
	_ =	sdelay $0x4  }
0x63: {  	v1 =	vadd.f32 v2, v1;
	_ =	sdelay $0x1  }
0x64: {  	[tilespmem:v0+s16+$0xFFFFFFE0 ss:$0x1] =	vst.idx.msk $0xffff, v1  }
0x65: {  	v1 =	vld [tilespmem:s16+$0x20B0]  }
0x66: {  	v2 =	vld [tilespmem:$0x40B0];
	_ =	sdelay $0x4  }
0x67: {  	v1 =	vadd.f32 v2, v1;
	_ =	sdelay $0x1  }
0x68: {  	[tilespmem:v0+s16+$0xFFFFFFF0 ss:$0x1] =	vst.idx.msk $0xffff, v1  }
0x69: {  	v1 =	vld [tilespmem:s16+$0x20C0]  }
0x6a: {  	v2 =	vld [tilespmem:$0x40C0];
	_ =	sdelay $0x4  }
0x6b: {  	v1 =	vadd.f32 v2, v1;
	_ =	sdelay $0x1  }
0x6c: {  	[tilespmem:v0+s16+$0x0 ss:$0x1] =	vst.idx.msk $0xffff, v1  }
0x6d: {  	v1 =	vld [tilespmem:s16+$0x20D0]  }
0x6e: {  	v2 =	vld [tilespmem:$0x40D0];
	_ =	sdelay $0x4  }
0x6f: {  	v1 =	vadd.f32 v2, v1;
	_ =	sdelay $0x1  }
0x70: {  	[tilespmem:v0+s16+$0x10 ss:$0x1] =	vst.idx.msk $0xffff, v1  }
0x71: {  	v1 =	vld [tilespmem:s16+$0x20E0]  }
0x72: {  	v2 =	vld [tilespmem:$0x40E0];
	_ =	sdelay $0x3  }
.Ltmp0:
0x73: {  	(pc) =	sbr.rel @p1 .LBB2_3-.Ltmp0, $3  }
0x74: {  	v1 =	vadd.f32 v2, v1;
	_ =	sdelay $0x1  }
0x75: {  	[tilespmem:v0+s16+$0x20 ss:$0x1] =	vst.idx.msk $0xffff, v1  }
0x76: {  	v1 =	vld [tilespmem:s16+$0x20F0]  }
0x77: {  	v2 =	vld [tilespmem:$0x40F0];
	_ =	sdelay $0x1  }
0x78: {  	s18 =	sshll.u32 s14, $0xA;
	s14 =	sadd.s32 $0x1, s14  }
0x79: {  	p1 =	sne.s32 s14, $0x40  }
.Ltmp1:
0x7a: {  	_ = 	snop;
	(pc) =	sbr.rel @p1 .LBB2_2-.Ltmp1, $3  }
0x7b: {  	v1 =	vadd.f32 v2, v1;
	_ =	sdelay $0x1  }
0x7c: {  	s15 =	sadd.s32 $0x1, s15;
	p0 =	por !p0, !p0;
	s31 =	sadd.s32 s18, s6;
	[tilespmem:v0+s16+$0x30 ss:$0x1] =	vst.idx.msk $0xffff, v1  }
0x7d: {  	[hbm4b:s31+s2] =	stream.linear.scatter [tilespmem:s17], [sflag:s15], $0x2000, $0x38;
	[tilespmem:$0x8100] =	vst v63  }
0x7e: {  	s13 =	sadd.s32 $0x1, s13  }
0x7f: {  	_ =	swait.ge [sflag:s11], $0x2000;
	p0 =	sne.s32 s13, s7  }
.Ltmp2:
0x80: {  	[sflag:s11] =	ssyncset.done $0x0;
	(pc) =	sbr.rel @p0 .LBB2_1-.Ltmp2, $4  }
0x81: {  	[sflag:s11] =	ssyncadd.s32 $0xFFFFE000  }
0x82: {  	_ =	swait.ge [sflag:s12], $0x2000  }
0x83: {  	[sflag:s12] =	ssyncset.done $0x0  }
0x84: {  	[sflag:s12] =	ssyncadd.s32 $0xFFFFE000  }
0x85: {  	_ =	sfence.sel $0x180000  }
0x86: {  	[bflag:$0x0] =	sbarrier.arrive $0xFFFF  }
0x87: {  	p0 =	sne.s32 s1, $0x0;
	_ =	strace $0x90000047  }
0x88: {  	s0 =	sadd.s32 @!p0 $0x100000, s0;
	[bflag:$0x2] =	sbarrier.arrive $0xFFFF  }
0x89: {  	[sflag:s0] =	ssyncadd.tile.s32 @!p0 $0x1;
	_ =	shalt  }
.Lfunc_end2:
_tile_overlayer_lowered:
.L_overlay_start_2:
0x8a: {  	(tag) =	ssettag $0x2  }
0x8b: {  	s0 =	rddreg [dreg:$0x0];
	s2 =	stileid.u32  }
0x8c: {  	s1 =	rddreg [dreg:$0x1];
	p0 =	sne.s32 s2, $0x0  }
0x8d: {  	s3 =	rddreg [dreg:$0x2];
	[bflag:$0x3] =	sbarrier.arrive $0xFFFF;
	s2 =	simm.s32 @!p0 $0x1C03  }
0x8e: {  	[timem:s3], [sflag:s2] =	dma.local @!p0 [hbm:s0], s1  }
0x8f: {  	s0 =	simm.s32 @!p0 $0x3  }
0x90: {  	_ =	swait.ge @!p0 [sflag:s0], s1  }
0x91: {  	s1 =	ssub.s32 @!p0 $0x0, s1;
	[sflag:s0] =	ssyncset.done @!p0 $0x0  }
0x92: {  	[sflag:s0] =	ssyncadd.s32 @!p0 s1  }
0x93: {  	[bflag:$0x3] =	sbarrier.arrive $0xFFFF  }
0x94: {  	_ =	shalt  }

</sc_bundles>
